<compile_context>
chip_gen: v7x
topology: tpu7x:2x2x1
jax: 0.10.2.dev20260603
libtpu: 0.0.44.dev20260713+nightly
codegen_flags: <defaults>
</compile_context>

<pallas_src>
import functools

import jax
import jax.numpy as jnp
from jax import lax
from jax.experimental import pallas as pl
from jax.experimental.pallas import tpu as pltpu
from jax.experimental.pallas import tpu_sc as plsc

_VOCAB = 100000
_DIM = 64
_NCLS = 100
_B = 4096
_L = 200

_NC = 2
_NS = 16
_NW = _NC * _NS
_BPW = _B // _NW


_LP = 256
_DP = 128


def _sc_pool_body(table_hbm, x2_hbm, out_hbm, xr_v, idx_v, accum, sem):
    wid = lax.axis_index("s") * _NC + lax.axis_index("c")

    pltpu.sync_copy(x2_hbm.at[pl.ds(wid * _BPW, _BPW)], xr_v)

    def zero_body(i, carry):
        for k in range(_DIM // 16):
            accum[i, pl.ds(k * 16, 16)] = jnp.zeros((16,), jnp.float32)
        return carry

    lax.fori_loop(0, _BPW, zero_body, 0)

    lanes = lax.iota(jnp.int32, 16)

    def fire(l, carry):
        col = jnp.zeros((16,), jnp.int32) + l
        for i in range(_BPW // 16):
            vals = plsc.load_gather(xr_v, [lanes + (16 * i), col])
            idx_v[l, pl.ds(16 * i, 16)] = vals + vals
        pltpu.async_copy(table_hbm.at[idx_v.at[l]], accum, sem, add=True)
        return carry

    lax.fori_loop(0, _L, fire, 0)

    def drain(j, carry):
        pltpu.make_async_copy(table_hbm.at[idx_v.at[0]], accum, sem).wait()
        return carry

    lax.fori_loop(0, _L, drain, 0)

    pltpu.sync_copy(
        accum, out_hbm.at[pl.ds(wid * _BPW, _BPW), pl.ds(0, _DIM)])


_sc_pool = functools.partial(
    pl.kernel,
    out_type=jax.ShapeDtypeStruct((_B, _DP), jnp.float32),
    mesh=plsc.VectorSubcoreMesh(core_axis_name="c", subcore_axis_name="s"),
    scratch_types=[
        pltpu.VMEM((_BPW, _LP), jnp.int32),
        pltpu.VMEM((_L, _BPW), jnp.int32),
        pltpu.VMEM((_BPW, _DIM), jnp.float32),
        pltpu.SemaphoreType.DMA,
    ],
    name="sc_pool",
    compiler_params=pltpu.CompilerParams(
        use_tc_tiling_on_sc=False, needs_layout_passes=False),
)(_sc_pool_body)


def _tc_head_body(ps_ref, x_ref, t0_ref, w_ref, b_ref, o_ref):
    cnt = jnp.sum((x_ref[...] == 0).astype(jnp.float32), axis=1, keepdims=True)
    pooled = ps_ref[:, : _DIM] - cnt * t0_ref[...]
    o_ref[...] = (1.0 / _L) * lax.dot_general(
        w_ref[...], pooled, (((1,), (1,)), ((), ())),
        preferred_element_type=jnp.float32,
    ) + b_ref[...]


_tc_head = pl.pallas_call(
    _tc_head_body,
    out_shape=jax.ShapeDtypeStruct((_NCLS, _B), jnp.float32),
)


def kernel(x, table, W, b):
    xi = x.astype(jnp.int32)
    xp = jnp.pad(xi, ((0, 0), (0, _LP - _L)))
    tp = jnp.pad(table, ((0, 0), (0, _DP - _DIM))).reshape(2 * _VOCAB, _DIM)
    pooled_sum = _sc_pool(tp, xp)
    logits_t = _tc_head(pooled_sum, xi, table[0:1], W, b.reshape(_NCLS, 1))
    return logits_t.T

# --- scband reference (transcript-rebuilt; emitter-appended) ---
"""Pipeline reference for scband-multiclass-classifier-53815940219211 (READ-ONLY COPY).

The authoritative reference and input builder live on the scoring server;
editing this copy changes nothing except your own understanding.
"""

import jax, jax.numpy as jnp
import numpy as np

VOCAB = 100000
DIM = 64
NCLS = 100
B = 4096
L = 200
PAD = 0  # padding_idx


def setup_inputs(seed: int = 0) -> dict:
    key = jax.random.key(seed)
    k1, k2, k3 = jax.random.split(key, 3)
    # token indices (int64-equivalent): values in [0, VOCAB)
    x = jax.random.randint(k1, (B, L), 0, VOCAB)
    # embedding table (nn.Embedding weight); padding row will be zeroed in reference
    table = jax.random.normal(k2, (VOCAB, DIM), dtype=jnp.float32)
    # classifier linear layer params (nn.Linear(DIM, NCLS)): W [NCLS, DIM], b [NCLS]
    W = jax.random.normal(k3, (NCLS, DIM), dtype=jnp.float32) * 0.05
    b = jnp.zeros((NCLS,), dtype=jnp.float32)
    return {"x": x, "table": table, "W": W, "b": b}


def reference(x, table, W, b):
    # nn.Embedding with padding_idx: the padding row contributes zeros
    pad_mask = (jnp.arange(table.shape[0]) != PAD).astype(table.dtype)[:, None]
    table_eff = table * pad_mask
    # embedding lookup (gather)
    emb = jnp.take(table_eff, x, axis=0)          # [B, L, DIM]
    # summarize: mean over sequence dim
    pooled = emb.mean(axis=1)                     # [B, DIM]
    # linear classifier
    logits = pooled @ W.T + b                     # [B, NCLS]
    return logits

if __name__ == "__main__":
    import jax
    _d = setup_inputs()
    print(jax.jit(kernel)(*tuple(_d.values())))

</pallas_src>

<mosaic_0001>
#map = affine_map<(d0, d1) -> (0, 0)>
module attributes {stable_mosaic.version = 14 : i64} {
  func.func @sc_pool(%arg0: i32, %arg1: i32, %arg2: memref<200000x64xf32, #tpu.memory_space<hbm>>, %arg3: memref<4096x256xi32, #tpu.memory_space<hbm>>, %arg4: memref<4096x128xf32, #tpu.memory_space<hbm>>, %arg5: memref<128x256xi32, #tpu.memory_space<vmem>>, %arg6: memref<200x128xi32, #tpu.memory_space<vmem>>, %arg7: memref<128x64xf32, #tpu.memory_space<vmem>>, %arg8: memref<!tpu.dma_semaphore, #tpu.memory_space<semaphore_mem>>) attributes {dimension_semantics = [#tpu.dimension_semantics<core_parallel>, #tpu.dimension_semantics<subcore_parallel>], iteration_bounds = array<i64: 2, 16>, scalar_prefetch = 0 : i64, scratch_operands = 4 : i64, tpu.core_type = #tpu.core_type<sc_vector_subcore>, window_params = [{transform_indices = #map}, {transform_indices = #map}, {transform_indices = #map}]} {
    %mul3A = arith.constant 2 : i32
    %mul3A_0 = arith.muli %arg1, %mul3A : i32
    %add3A = arith.addi %mul3A_0, %arg0 : i32
    %mul3A_1 = arith.constant 128 : i32
    %mul3A_2 = arith.muli %add3A, %mul3A_1 : i32
    "tpu.region"() ({
      %run_scoped3A = tpu.sem_alloc : memref<!tpu.dma_semaphore, #tpu.memory_space<semaphore_mem>>
      %dma_start3A = arith.constant 0 : i32
      %dma_start3A_22 = tpu.memref_slice %arg3[%mul3A_2, %dma_start3A] : memref<4096x256xi32, #tpu.memory_space<hbm>> -> memref<128x256xi32, #tpu.memory_space<hbm>>
      %dma_start3A_23 = arith.constant 0 : i32
      %dma_start3A_24 = tpu.memref_slice %arg3[%mul3A_2, %dma_start3A_23] : memref<4096x256xi32, #tpu.memory_space<hbm>> -> memref<128x256xi32, #tpu.memory_space<hbm>>
      tpu.enqueue_dma source(%dma_start3A_24 : memref<128x256xi32, #tpu.memory_space<hbm>>) target(%arg5 : memref<128x256xi32, #tpu.memory_space<vmem>>) target_semaphore(%run_scoped3A : memref<!tpu.dma_semaphore, #tpu.memory_space<semaphore_mem>>)
      %dma_wait3A = arith.constant 0 : i32
      %dma_wait3A_25 = tpu.memref_slice %arg3[%mul3A_2, %dma_wait3A] : memref<4096x256xi32, #tpu.memory_space<hbm>> -> memref<128x256xi32, #tpu.memory_space<hbm>>
      %dma_wait3A_26 = arith.constant 0 : i32
      %dma_wait3A_27 = tpu.memref_slice %arg3[%mul3A_2, %dma_wait3A_26] : memref<4096x256xi32, #tpu.memory_space<hbm>> -> memref<128x256xi32, #tpu.memory_space<hbm>>
      tpu.wait_dma2 semaphore(%run_scoped3A : memref<!tpu.dma_semaphore, #tpu.memory_space<semaphore_mem>>) src(%dma_wait3A_27 : memref<128x256xi32, #tpu.memory_space<hbm>>) dst(%arg5 : memref<128x256xi32, #tpu.memory_space<vmem>>)
      tpu.yield
    }) : () -> ()
    %scan3A = arith.constant 0 : i32
    %scan3A_3 = arith.constant 0 : i32
    %scan3A_4 = arith.constant 128 : i32
    %scan3A_5 = arith.addi %scan3A_3, %scan3A_4 : i32
    %scan3A_6 = arith.constant 1 : i32
    scf.for %scan3A_22 = %scan3A_3 to %scan3A_5 step %scan3A_6  : i32 {
      %broadcast_in_dim3A = arith.constant 0.000000e+00 : f32
      %broadcast_in_dim3A_23 = vector.broadcast %broadcast_in_dim3A : f32 to vector<16xf32>
      %swap3A = arith.index_cast %scan3A_22 : i32 to index
      %swap3A_24 = arith.constant 0 : index
      %swap3A_25 = tpu.vector_load %arg7[%swap3A, %swap3A_24] {strides = array<i32>} : memref<128x64xf32, #tpu.memory_space<vmem>>, vector<16xf32>,
      tpu.vector_store %arg7[%swap3A, %swap3A_24], %broadcast_in_dim3A_23 {strides = array<i32>} : memref<128x64xf32, #tpu.memory_space<vmem>>, vector<16xf32>,
      %broadcast_in_dim3A_26 = arith.constant 0.000000e+00 : f32
      %broadcast_in_dim3A_27 = vector.broadcast %broadcast_in_dim3A_26 : f32 to vector<16xf32>
      %swap3A_28 = arith.index_cast %scan3A_22 : i32 to index
      %swap3A_29 = arith.constant 16 : index
      %swap3A_30 = tpu.vector_load %arg7[%swap3A_28, %swap3A_29] {strides = array<i32>} : memref<128x64xf32, #tpu.memory_space<vmem>>, vector<16xf32>,
      tpu.vector_store %arg7[%swap3A_28, %swap3A_29], %broadcast_in_dim3A_27 {strides = array<i32>} : memref<128x64xf32, #tpu.memory_space<vmem>>, vector<16xf32>,
      %broadcast_in_dim3A_31 = arith.constant 0.000000e+00 : f32
      %broadcast_in_dim3A_32 = vector.broadcast %broadcast_in_dim3A_31 : f32 to vector<16xf32>
      %swap3A_33 = arith.index_cast %scan3A_22 : i32 to index
      %swap3A_34 = arith.constant 32 : index
      %swap3A_35 = tpu.vector_load %arg7[%swap3A_33, %swap3A_34] {strides = array<i32>} : memref<128x64xf32, #tpu.memory_space<vmem>>, vector<16xf32>,
      tpu.vector_store %arg7[%swap3A_33, %swap3A_34], %broadcast_in_dim3A_32 {strides = array<i32>} : memref<128x64xf32, #tpu.memory_space<vmem>>, vector<16xf32>,
      %broadcast_in_dim3A_36 = arith.constant 0.000000e+00 : f32
      %broadcast_in_dim3A_37 = vector.broadcast %broadcast_in_dim3A_36 : f32 to vector<16xf32>
      %swap3A_38 = arith.index_cast %scan3A_22 : i32 to index
      %swap3A_39 = arith.constant 48 : index
      %swap3A_40 = tpu.vector_load %arg7[%swap3A_38, %swap3A_39] {strides = array<i32>} : memref<128x64xf32, #tpu.memory_space<vmem>>, vector<16xf32>,
      tpu.vector_store %arg7[%swap3A_38, %swap3A_39], %broadcast_in_dim3A_37 {strides = array<i32>} : memref<128x64xf32, #tpu.memory_space<vmem>>, vector<16xf32>,
    }
    %scan3A_7 = arith.constant 128 : i32
    %iota3A = tpu.iota {dimensions = array<i32: 0>} : vector<16xi32>
    %scan3A_8 = arith.constant 0 : i32
    %scan3A_9 = arith.constant 0 : i32
    %scan3A_10 = arith.constant 200 : i32
    %scan3A_11 = arith.addi %scan3A_9, %scan3A_10 : i32
    %scan3A_12 = arith.constant 1 : i32
    scf.for %scan3A_22 = %scan3A_9 to %scan3A_11 step %scan3A_12  : i32 {
      %broadcast_in_dim3A = arith.constant 0 : i32
      %broadcast_in_dim3A_23 = vector.broadcast %broadcast_in_dim3A : i32 to vector<16xi32>
      %add3A_24 = vector.broadcast %scan3A_22 : i32 to vector<16xi32>
      %add3A_25 = arith.addi %broadcast_in_dim3A_23, %add3A_24 : vector<16xi32>
      %add3A_26 = arith.constant 0 : i32
      %add3A_27 = vector.broadcast %add3A_26 : i32 to vector<16xi32>
      %add3A_28 = arith.addi %iota3A, %add3A_27 : vector<16xi32>
      %gather3A = tpu.vector_load_idx %arg5[%add3A_28, %add3A_25] : memref<128x256xi32, #tpu.memory_space<vmem>>[vector<16xi32>, vector<16xi32>], vector<16xi32>,
      %add3A_29 = arith.addi %gather3A, %gather3A : vector<16xi32>
      %swap3A = arith.index_cast %scan3A_22 : i32 to index
      %swap3A_30 = arith.constant 0 : index
      %swap3A_31 = tpu.vector_load %arg6[%swap3A, %swap3A_30] {strides = array<i32>} : memref<200x128xi32, #tpu.memory_space<vmem>>, vector<16xi32>,
      tpu.vector_store %arg6[%swap3A, %swap3A_30], %add3A_29 {strides = array<i32>} : memref<200x128xi32, #tpu.memory_space<vmem>>, vector<16xi32>,
      %add3A_32 = arith.constant 16 : i32
      %add3A_33 = vector.broadcast %add3A_32 : i32 to vector<16xi32>
      %add3A_34 = arith.addi %iota3A, %add3A_33 : vector<16xi32>
      %gather3A_35 = tpu.vector_load_idx %arg5[%add3A_34, %add3A_25] : memref<128x256xi32, #tpu.memory_space<vmem>>[vector<16xi32>, vector<16xi32>], vector<16xi32>,
      %add3A_36 = arith.addi %gather3A_35, %gather3A_35 : vector<16xi32>
      %swap3A_37 = arith.index_cast %scan3A_22 : i32 to index
      %swap3A_38 = arith.constant 16 : index
      %swap3A_39 = tpu.vector_load %arg6[%swap3A_37, %swap3A_38] {strides = array<i32>} : memref<200x128xi32, #tpu.memory_space<vmem>>, vector<16xi32>,
      tpu.vector_store %arg6[%swap3A_37, %swap3A_38], %add3A_36 {strides = array<i32>} : memref<200x128xi32, #tpu.memory_space<vmem>>, vector<16xi32>,
      %add3A_40 = arith.constant 32 : i32
      %add3A_41 = vector.broadcast %add3A_40 : i32 to vector<16xi32>
      %add3A_42 = arith.addi %iota3A, %add3A_41 : vector<16xi32>
      %gather3A_43 = tpu.vector_load_idx %arg5[%add3A_42, %add3A_25] : memref<128x256xi32, #tpu.memory_space<vmem>>[vector<16xi32>, vector<16xi32>], vector<16xi32>,
      %add3A_44 = arith.addi %gather3A_43, %gather3A_43 : vector<16xi32>
      %swap3A_45 = arith.index_cast %scan3A_22 : i32 to index
      %swap3A_46 = arith.constant 32 : index
      %swap3A_47 = tpu.vector_load %arg6[%swap3A_45, %swap3A_46] {strides = array<i32>} : memref<200x128xi32, #tpu.memory_space<vmem>>, vector<16xi32>,
      tpu.vector_store %arg6[%swap3A_45, %swap3A_46], %add3A_44 {strides = array<i32>} : memref<200x128xi32, #tpu.memory_space<vmem>>, vector<16xi32>,
      %add3A_48 = arith.constant 48 : i32
      %add3A_49 = vector.broadcast %add3A_48 : i32 to vector<16xi32>
      %add3A_50 = arith.addi %iota3A, %add3A_49 : vector<16xi32>
      %gather3A_51 = tpu.vector_load_idx %arg5[%add3A_50, %add3A_25] : memref<128x256xi32, #tpu.memory_space<vmem>>[vector<16xi32>, vector<16xi32>], vector<16xi32>,
      %add3A_52 = arith.addi %gather3A_51, %gather3A_51 : vector<16xi32>
      %swap3A_53 = arith.index_cast %scan3A_22 : i32 to index
      %swap3A_54 = arith.constant 48 : index
      %swap3A_55 = tpu.vector_load %arg6[%swap3A_53, %swap3A_54] {strides = array<i32>} : memref<200x128xi32, #tpu.memory_space<vmem>>, vector<16xi32>,
      tpu.vector_store %arg6[%swap3A_53, %swap3A_54], %add3A_52 {strides = array<i32>} : memref<200x128xi32, #tpu.memory_space<vmem>>, vector<16xi32>,
      %add3A_56 = arith.constant 64 : i32
      %add3A_57 = vector.broadcast %add3A_56 : i32 to vector<16xi32>
      %add3A_58 = arith.addi %iota3A, %add3A_57 : vector<16xi32>
      %gather3A_59 = tpu.vector_load_idx %arg5[%add3A_58, %add3A_25] : memref<128x256xi32, #tpu.memory_space<vmem>>[vector<16xi32>, vector<16xi32>], vector<16xi32>,
      %add3A_60 = arith.addi %gather3A_59, %gather3A_59 : vector<16xi32>
      %swap3A_61 = arith.index_cast %scan3A_22 : i32 to index
      %swap3A_62 = arith.constant 64 : index
      %swap3A_63 = tpu.vector_load %arg6[%swap3A_61, %swap3A_62] {strides = array<i32>} : memref<200x128xi32, #tpu.memory_space<vmem>>, vector<16xi32>,
      tpu.vector_store %arg6[%swap3A_61, %swap3A_62], %add3A_60 {strides = array<i32>} : memref<200x128xi32, #tpu.memory_space<vmem>>, vector<16xi32>,
      %add3A_64 = arith.constant 80 : i32
      %add3A_65 = vector.broadcast %add3A_64 : i32 to vector<16xi32>
      %add3A_66 = arith.addi %iota3A, %add3A_65 : vector<16xi32>
      %gather3A_67 = tpu.vector_load_idx %arg5[%add3A_66, %add3A_25] : memref<128x256xi32, #tpu.memory_space<vmem>>[vector<16xi32>, vector<16xi32>], vector<16xi32>,
      %add3A_68 = arith.addi %gather3A_67, %gather3A_67 : vector<16xi32>
      %swap3A_69 = arith.index_cast %scan3A_22 : i32 to index
      %swap3A_70 = arith.constant 80 : index
      %swap3A_71 = tpu.vector_load %arg6[%swap3A_69, %swap3A_70] {strides = array<i32>} : memref<200x128xi32, #tpu.memory_space<vmem>>, vector<16xi32>,
      tpu.vector_store %arg6[%swap3A_69, %swap3A_70], %add3A_68 {strides = array<i32>} : memref<200x128xi32, #tpu.memory_space<vmem>>, vector<16xi32>,
      %add3A_72 = arith.constant 96 : i32
      %add3A_73 = vector.broadcast %add3A_72 : i32 to vector<16xi32>
      %add3A_74 = arith.addi %iota3A, %add3A_73 : vector<16xi32>
      %gather3A_75 = tpu.vector_load_idx %arg5[%add3A_74, %add3A_25] : memref<128x256xi32, #tpu.memory_space<vmem>>[vector<16xi32>, vector<16xi32>], vector<16xi32>,
      %add3A_76 = arith.addi %gather3A_75, %gather3A_75 : vector<16xi32>
      %swap3A_77 = arith.index_cast %scan3A_22 : i32 to index
      %swap3A_78 = arith.constant 96 : index
      %swap3A_79 = tpu.vector_load %arg6[%swap3A_77, %swap3A_78] {strides = array<i32>} : memref<200x128xi32, #tpu.memory_space<vmem>>, vector<16xi32>,
      tpu.vector_store %arg6[%swap3A_77, %swap3A_78], %add3A_76 {strides = array<i32>} : memref<200x128xi32, #tpu.memory_space<vmem>>, vector<16xi32>,
      %add3A_80 = arith.constant 112 : i32
      %add3A_81 = vector.broadcast %add3A_80 : i32 to vector<16xi32>
      %add3A_82 = arith.addi %iota3A, %add3A_81 : vector<16xi32>
      %gather3A_83 = tpu.vector_load_idx %arg5[%add3A_82, %add3A_25] : memref<128x256xi32, #tpu.memory_space<vmem>>[vector<16xi32>, vector<16xi32>], vector<16xi32>,
      %add3A_84 = arith.addi %gather3A_83, %gather3A_83 : vector<16xi32>
      %swap3A_85 = arith.index_cast %scan3A_22 : i32 to index
      %swap3A_86 = arith.constant 112 : index
      %swap3A_87 = tpu.vector_load %arg6[%swap3A_85, %swap3A_86] {strides = array<i32>} : memref<200x128xi32, #tpu.memory_space<vmem>>, vector<16xi32>,
      tpu.vector_store %arg6[%swap3A_85, %swap3A_86], %add3A_84 {strides = array<i32>} : memref<200x128xi32, #tpu.memory_space<vmem>>, vector<16xi32>,
      %dma_start3A = arith.constant 0 : i32
      %dma_start3A_88 = tpu.memref_slice %arg6[%scan3A_22, %dma_start3A] : memref<200x128xi32, #tpu.memory_space<vmem>> -> memref<1x128xi32, #tpu.memory_space<vmem>>
      %dma_start3A_89 = tpu.memref_squeeze %dma_start3A_88 : memref<1x128xi32, #tpu.memory_space<vmem>> -> memref<128xi32, #tpu.memory_space<vmem>>
      %dma_start3A_90 = arith.constant 0 : i32
      %dma_start3A_91 = arith.constant 0 : i32
      %dma_start3A_92 = tpu.memref_slice %arg2[%dma_start3A_90, %dma_start3A_91] : memref<200000x64xf32, #tpu.memory_space<hbm>> -> memref<200000x64xf32, #tpu.memory_space<hbm>>
      tpu.enqueue_indirect_dma source(%dma_start3A_92 : memref<200000x64xf32, #tpu.memory_space<hbm>>) target(%arg7 : memref<128x64xf32, #tpu.memory_space<vmem>>) offsets(%dma_start3A_89 : memref<128xi32, #tpu.memory_space<vmem>>) semaphore(%arg8 : memref<!tpu.dma_semaphore, #tpu.memory_space<semaphore_mem>>) {add = true}
    }
    %scan3A_13 = arith.constant 200 : i32
    %scan3A_14 = arith.constant 0 : i32
    %scan3A_15 = arith.constant 0 : i32
    %scan3A_16 = arith.constant 200 : i32
    %scan3A_17 = arith.addi %scan3A_15, %scan3A_16 : i32
    %scan3A_18 = arith.constant 1 : i32
    scf.for %scan3A_22 = %scan3A_15 to %scan3A_17 step %scan3A_18  : i32 {
      %dma_wait3A = arith.constant 0 : i32
      %dma_wait3A_23 = arith.constant 0 : i32
      %dma_wait3A_24 = tpu.memref_slice %arg6[%dma_wait3A, %dma_wait3A_23] : memref<200x128xi32, #tpu.memory_space<vmem>> -> memref<1x128xi32, #tpu.memory_space<vmem>>
      %dma_wait3A_25 = tpu.memref_squeeze %dma_wait3A_24 : memref<1x128xi32, #tpu.memory_space<vmem>> -> memref<128xi32, #tpu.memory_space<vmem>>
      %dma_wait3A_26 = arith.constant 0 : i32
      %dma_wait3A_27 = arith.constant 0 : i32
      %dma_wait3A_28 = tpu.memref_slice %arg2[%dma_wait3A_26, %dma_wait3A_27] : memref<200000x64xf32, #tpu.memory_space<hbm>> -> memref<200000x64xf32, #tpu.memory_space<hbm>>
      tpu.wait_indirect_dma semaphore(%arg8 : memref<!tpu.dma_semaphore, #tpu.memory_space<semaphore_mem>>) src(%dma_wait3A_28 : memref<200000x64xf32, #tpu.memory_space<hbm>>) dst(%arg7 : memref<128x64xf32, #tpu.memory_space<vmem>>)
    }
    %scan3A_19 = arith.constant 200 : i32
    %mul3A_20 = arith.constant 128 : i32
    %mul3A_21 = arith.muli %add3A, %mul3A_20 : i32
    "tpu.region"() ({
      %run_scoped3A = tpu.sem_alloc : memref<!tpu.dma_semaphore, #tpu.memory_space<semaphore_mem>>
      %dma_start3A = arith.constant 0 : i32
      %dma_start3A_22 = tpu.memref_slice %arg4[%mul3A_21, %dma_start3A] : memref<4096x128xf32, #tpu.memory_space<hbm>> -> memref<128x64xf32, #tpu.memory_space<hbm>>
      %dma_start3A_23 = arith.constant 0 : i32
      %dma_start3A_24 = tpu.memref_slice %arg4[%mul3A_21, %dma_start3A_23] : memref<4096x128xf32, #tpu.memory_space<hbm>> -> memref<128x64xf32, #tpu.memory_space<hbm>>
      tpu.enqueue_dma source(%arg7 : memref<128x64xf32, #tpu.memory_space<vmem>>) target(%dma_start3A_24 : memref<128x64xf32, #tpu.memory_space<hbm>>) target_semaphore(%run_scoped3A : memref<!tpu.dma_semaphore, #tpu.memory_space<semaphore_mem>>)
      %dma_wait3A = arith.constant 0 : i32
      %dma_wait3A_25 = tpu.memref_slice %arg4[%mul3A_21, %dma_wait3A] : memref<4096x128xf32, #tpu.memory_space<hbm>> -> memref<128x64xf32, #tpu.memory_space<hbm>>
      %dma_wait3A_26 = arith.constant 0 : i32
      %dma_wait3A_27 = tpu.memref_slice %arg4[%mul3A_21, %dma_wait3A_26] : memref<4096x128xf32, #tpu.memory_space<hbm>> -> memref<128x64xf32, #tpu.memory_space<hbm>>
      tpu.wait_dma2 semaphore(%run_scoped3A : memref<!tpu.dma_semaphore, #tpu.memory_space<semaphore_mem>>) src(%arg7 : memref<128x64xf32, #tpu.memory_space<vmem>>) dst(%dma_wait3A_27 : memref<128x64xf32, #tpu.memory_space<hbm>>)
      tpu.yield
    }) : () -> ()
    return
  }
}

module attributes {stable_mosaic.version = 14 : i64} {
  func.func @_tc_head_body(%arg0: memref<4096x128xf32, #tpu.memory_space<vmem>>, %arg1: memref<4096x200xi32, #tpu.memory_space<vmem>>, %arg2: memref<1x64xf32, #tpu.memory_space<vmem>>, %arg3: memref<100x64xf32, #tpu.memory_space<vmem>>, %arg4: memref<100x1xf32, #tpu.memory_space<vmem>>, %arg5: memref<100x4096xf32, #tpu.memory_space<vmem>>) attributes {dimension_semantics = [], scalar_prefetch = 0 : i64, scratch_operands = 0 : i64, tpu.core_type = #tpu.core_type<tc>} {
    %get3A = arith.constant 0 : index
    %get3A_0 = arith.constant 0 : index
    %get3A_1 = vector.load %arg1[%get3A, %get3A_0] : memref<4096x200xi32, #tpu.memory_space<vmem>>, vector<4096x200xi32>
    %eq3A = arith.constant 0 : i32
    %eq3A_2 = vector.broadcast %eq3A : i32 to vector<4096x200xi32>
    %eq3A_3 = arith.cmpi eq, %get3A_1, %eq3A_2 : vector<4096x200xi32>
    %convert_element_type3A = arith.extui %eq3A_3 : vector<4096x200xi1> to vector<4096x200xi32>
    %convert_element_type3A_4 = arith.sitofp %convert_element_type3A : vector<4096x200xi32> to vector<4096x200xf32>
    %reduce_sum3A = arith.constant dense<0.000000e+00> : vector<4096xf32>
    %reduce_sum3A_5 = vector.multi_reduction <add>, %convert_element_type3A_4, %reduce_sum3A [1] : vector<4096x200xf32> to vector<4096xf32>
    %broadcast_in_dim3A = vector.shape_cast %reduce_sum3A_5 : vector<4096xf32> to vector<4096x1xf32>
    %get3A_6 = arith.constant 0 : index
    %get3A_7 = arith.constant 0 : index
    %get3A_8 = vector.load %arg0[%get3A_6, %get3A_7] : memref<4096x128xf32, #tpu.memory_space<vmem>>, vector<4096x64xf32>
    %get3A_9 = arith.constant 0 : index
    %get3A_10 = arith.constant 0 : index
    %get3A_11 = vector.load %arg2[%get3A_9, %get3A_10] : memref<1x64xf32, #tpu.memory_space<vmem>>, vector<1x64xf32>
    %mul3A = vector.broadcast %broadcast_in_dim3A : vector<4096x1xf32> to vector<4096x64xf32>
    %mul3A_12 = vector.broadcast %get3A_11 : vector<1x64xf32> to vector<4096x64xf32>
    %mul3A_13 = arith.mulf %mul3A, %mul3A_12 : vector<4096x64xf32>
    %sub3A = arith.subf %get3A_8, %mul3A_13 : vector<4096x64xf32>
    %get3A_14 = arith.constant 0 : index
    %get3A_15 = arith.constant 0 : index
    %get3A_16 = vector.load %arg3[%get3A_14, %get3A_15] : memref<100x64xf32, #tpu.memory_space<vmem>>, vector<100x64xf32>
    %dot_general3A = arith.constant dense<0.000000e+00> : vector<100x4096xf32>
    %dot_general3A_17 = tpu.matmul %get3A_16, %sub3A, %dot_general3A {dimension_numbers = #tpu.dot_dimension_numbers<[1], [1], [0], [0], [0, 0, 1, 0], [], []>, transpose_lhs_hint = false} : vector<100x64xf32>, vector<4096x64xf32>, vector<100x4096xf32> -> vector<100x4096xf32>
    %mul3A_18 = arith.constant 5.000000e-03 : f32
    %mul3A_19 = vector.broadcast %mul3A_18 : f32 to vector<100x4096xf32>
    %mul3A_20 = arith.mulf %mul3A_19, %dot_general3A_17 : vector<100x4096xf32>
    %get3A_21 = arith.constant 0 : index
    %get3A_22 = arith.constant 0 : index
    %get3A_23 = vector.load %arg4[%get3A_21, %get3A_22] : memref<100x1xf32, #tpu.memory_space<vmem>>, vector<100x1xf32>
    %add3A = vector.broadcast %get3A_23 : vector<100x1xf32> to vector<100x4096xf32>
    %add3A_24 = arith.addf %mul3A_20, %add3A : vector<100x4096xf32>
    %swap3A = arith.constant 0 : index
    %swap3A_25 = arith.constant 0 : index
    %swap3A_26 = vector.load %arg5[%swap3A, %swap3A_25] : memref<100x4096xf32, #tpu.memory_space<vmem>>, vector<100x4096xf32>
    tpu.vector_store %arg5[%swap3A, %swap3A_25], %add3A_24 {strides = array<i32>} : memref<100x4096xf32, #tpu.memory_space<vmem>>, vector<100x4096xf32>,
    return
  }
}

</mosaic_0001>

<sc_bundles>
// kernel: sc_pool.3.cloned.1.call-start
scs
__scs_entry_jumppad:
0x0: {  	(pc) =	sbr.rel $0x88, $3  }
0x1: {  	(tag) =	ssettag $0x0;
	lr =	simm.s32 $0x1  }
0x2: {  	[smem:$0x3F9D] =	sst lr;
	_ =	strace $0xD0000000  }
0x3: {  	_ = 	snop  }
0x4: {  	_ = 	snop  }
0x5: {  	_ = 	snop  }
0x6: {  	_ = 	snop  }
0x7: {  	_ = 	snop  }
__scs_overlays_trampoline_lowered:
0x8: {  	[smem:$0x3FAC] =	sst s0  }
0x9: {  	[smem:$0x3FAD] =	sst s1  }
0xa: {  	[smem:$0x3FAE] =	sst s2  }
0xb: {  	[smem:$0x3FAF] =	sst s3  }
0xc: {  	[smem:$0x3FB0] =	sst s4  }
0xd: {  	[smem:$0x3FB1] =	sst s5  }
0xe: {  	[smem:$0x3FB2] =	sst s6  }
0xf: {  	[smem:$0x3FB3] =	sst s7  }
0x10: {  	[smem:$0x3FB4] =	sst s8  }
0x11: {  	[smem:$0x3FB5] =	sst s9;
	s0 =	simm.s32 @!p0 $0x0  }
0x12: {  	s1 =	sld [smem:$0x3F9B];
	s0 =	simm.s32 @p0 $0x1  }
0x13: {  	[smem:$0x3FB6] =	sst s0;
	s0 =	simm.s32 @!p1 $0x0  }
0x14: {  	s2 =	sld [smem:$0x3F9A];
	s0 =	simm.s32 @p1 $0x1  }
0x15: {  	[smem:$0x3FB7] =	sst s0;
	s0 =	simm.s32 @!p2 $0x0  }
0x16: {  	s3 =	sld [smem:$0x3FDB];
	s0 =	simm.s32 @p2 $0x1  }
0x17: {  	s4 =	simm.s32 $0x1BF5;
	[smem:$0x3FB9] =	sst s0  }
0x18: {  	s0 =	sld [smem:$0x3F9C];
	_ =	swait.ge [sflag:s4], $0x0  }
0x19: {  	s7 =	sld [smem:$0x3F9D]  }
0x1a: {  	s8 =	sadd.s32 $0xFFFFE003, lr  }
0x1b: {  	s9 =	sadd.s32 $0xFFFFFEF7, lr;
	s5 =	simm.s32 $0xFFFFFFFF;
	p2 =	slt.u32 s8, $0xFFFFF086  }
0x1c: {  	p1 =	slt.u32 s9, $0xF7A;
	s5 =	simm.s32 @!p2 $0x0  }
0x1d: {  	s5 =	simm.s32 @p1 $0x1;
	p0 =	seq.s32 s7, s2  }
0x1e: {  	s7 =	smul.u32 @!p0 $0xF7A, s2;
	p2 =	seq.s32 @!p0 s5, $0x0  }
0x1f: {  	s9 =	smul.u32 $0xF7A, s1;
	s8 =	simm.s32 @!p0 $0x1BF5;
	p2 =	por !p2, p0  }
0x20: {  	[sflag:s8] =	ssyncset.s32 @!p0 $0xFFFFF086;
	s6 =	sadd.s32 @!p0 s3, s7;
	s7 =	simm.s32 @!p0 $0x108  }
0x21: {  	s3 =	sadd.s32 s3, s9;
	s6 =	sadd.s32 @!p0 $0x88, s6;
	s7 =	simm.s32 @p2 $0x1082  }
0x22: {  	[simem:s7], [sflag:s8] =	dma.local @!p0 [hbm:s6], $0xF7A  }
0x23: {  	s9 =	sor.u32 $0xD0000000, s2;
	s6 =	simm.s32 $0x108;
	_ =	swait.ge @!p0 [sflag:s8], $0x0  }
0x24: {  	s3 =	sadd.s32 $0x88, s3;
	s6 =	simm.s32 @!p1 $0x1082;
	[sflag:s4] =	ssyncset.s32 $0xFFFFF086  }
0x25: {  	[simem:s6], [sflag:s4] =	dma.local [hbm:s3], $0xF7A  }
0x26: {  	[smem:$0x3F9D] =	sst s1;
	(tag) =	ssettag s2;
	_ =	strace s9  }
0x27: {  	s1 =	sld [smem:$0x3FAD]  }
0x28: {  	s2 =	sld [smem:$0x3FAE]  }
0x29: {  	s4 =	sld [smem:$0x3FB0]  }
0x2a: {  	p0 =	seq.s32 s5, $0x0;
	s5 =	sld [smem:$0x3FB1]  }
0x2b: {  	s6 =	sld [smem:$0x3FB2]  }
0x2c: {  	s7 =	sld [smem:$0x3FB3]  }
0x2d: {  	s3 =	simm.s32 $0x108;
	s8 =	sld [smem:$0x3FB4]  }
0x2e: {  	s3 =	simm.s32 @!p0 $0x1082;
	s9 =	sld [smem:$0x3FB5]  }
0x2f: {  	lr =	sadd.s32 s0, s3;
	s0 =	sld [smem:$0x3FAC]  }
0x30: {  	s3 =	sld [smem:$0x3FAF]  }
0x31: {  	[smem:$0x3FB8] =	sst s10  }
0x32: {  	s10 =	sld [smem:$0x3FB6];
	_ =	sdelay $0x3  }
0x33: {  	p0 =	seq.s32 s10, $0x1;
	s10 =	sld [smem:$0x3FB8];
	_ =	sdelay $0x3  }
0x34: {  	[smem:$0x3FB8] =	sst s10  }
0x35: {  	s10 =	sld [smem:$0x3FB7];
	_ =	sdelay $0x3  }
0x36: {  	p1 =	seq.s32 s10, $0x1;
	s10 =	sld [smem:$0x3FB8];
	_ =	sdelay $0x3  }
0x37: {  	[smem:$0x3FB8] =	sst s10  }
0x38: {  	s10 =	sld [smem:$0x3FB9]  }
0x39: {  	_ = 	snop;
	(pc) =	sbr.ind lr, $3  }
0x3a: {  	_ = 	snop  }
0x3b: {  	_ = 	snop  }
0x3c: {  	p2 =	seq.s32 s10, $0x1;
	s10 =	sld [smem:$0x3FB8]  }
0x3d: {  	_ =	shalt  }
0x3e: {  	_ =	shalt  }
0x3f: {  	_ =	shalt  }
0x40: {  	_ =	shalt  }
0x41: {  	_ =	shalt  }
0x42: {  	_ =	shalt  }
0x43: {  	_ =	shalt  }
0x44: {  	_ =	shalt  }
0x45: {  	_ =	shalt  }
0x46: {  	_ =	shalt  }
0x47: {  	_ =	shalt  }
0x48: {  	_ =	shalt  }
0x49: {  	_ =	shalt  }
0x4a: {  	_ =	shalt  }
0x4b: {  	_ =	shalt  }
0x4c: {  	_ =	shalt  }
0x4d: {  	_ =	shalt  }
0x4e: {  	_ =	shalt  }
0x4f: {  	_ =	shalt  }
0x50: {  	_ =	shalt  }
0x51: {  	_ =	shalt  }
0x52: {  	_ =	shalt  }
0x53: {  	_ =	shalt  }
0x54: {  	_ =	shalt  }
0x55: {  	_ =	shalt  }
0x56: {  	_ =	shalt  }
0x57: {  	_ =	shalt  }
0x58: {  	_ =	shalt  }
0x59: {  	_ =	shalt  }
0x5a: {  	_ =	shalt  }
0x5b: {  	_ =	shalt  }
0x5c: {  	_ =	shalt  }
0x5d: {  	_ =	shalt  }
0x5e: {  	_ =	shalt  }
0x5f: {  	_ =	shalt  }
0x60: {  	_ =	shalt  }
0x61: {  	_ =	shalt  }
0x62: {  	_ =	shalt  }
0x63: {  	_ =	shalt  }
0x64: {  	_ =	shalt  }
0x65: {  	_ =	shalt  }
0x66: {  	_ =	shalt  }
0x67: {  	_ =	shalt  }
0x68: {  	_ =	shalt  }
0x69: {  	_ =	shalt  }
0x6a: {  	_ =	shalt  }
0x6b: {  	_ =	shalt  }
0x6c: {  	_ =	shalt  }
0x6d: {  	_ =	shalt  }
0x6e: {  	_ =	shalt  }
0x6f: {  	_ =	shalt  }
0x70: {  	_ =	shalt  }
0x71: {  	_ =	shalt  }
0x72: {  	_ =	shalt  }
0x73: {  	_ =	shalt  }
0x74: {  	_ =	shalt  }
0x75: {  	_ =	shalt  }
0x76: {  	_ =	shalt  }
0x77: {  	_ =	shalt  }
0x78: {  	_ =	shalt  }
0x79: {  	_ =	shalt  }
0x7a: {  	_ =	shalt  }
0x7b: {  	_ =	shalt  }
0x7c: {  	_ =	shalt  }
0x7d: {  	_ =	shalt  }
0x7e: {  	_ =	shalt  }
0x7f: {  	_ =	shalt  }
0x80: {  	_ =	shalt  }
0x81: {  	_ =	shalt  }
0x82: {  	_ =	shalt  }
0x83: {  	_ =	shalt  }
0x84: {  	_ =	shalt  }
0x85: {  	_ =	shalt  }
0x86: {  	_ =	shalt  }
0x87: {  	_ =	shalt  }
.Lfunc_end0:
.L_simem_size_0:
called_computation_lowered:
.L_overlay_start_0:
0x88: {  	s2 =	sld [smem:$0x3FD9]  }
0x89: {  	s3 =	sld [smem:$0x3FFE];
	_ =	sdelay $0x1  }
0x8a: {  	s1 =	srdreg.scid  }
0x8b: {  	s0 =	sand.u32 $0x1, s1  }
0x8c: {  	s16 =	sshll.u32 s0, $0xA;
	s2 =	sadd.s32 s3, s2  }
0x8d: {  	s2 =	sadd.s32 s2, s16  }
0x8e: {  	[smem:$0x3FC4] =	sst s2  }
0x8f: {  	_ = 	snop  }
0x90: {  	(tm) =	ssettm $0x1  }
0x91: {  	s17 =	sld [smem:$0x3FFB];
	_ =	sdelay $0x3  }
0x92: {  	_ =	strace s17  }
0x93: {  	s2 =	sld [smem:$0x3FFC];
	_ =	sdelay $0x3  }
0x94: {  	_ =	strace s2  }
0x95: {  	s2 =	sld [smem:$0x3FFD];
	_ =	sdelay $0x3  }
0x96: {  	_ =	strace s2  }
0x97: {  	_ =	strace $0x8FFFFFFF  }
0x98: {  	s18 =	sld [smem:$0x3FDB];
	_ =	sdelay $0x1  }
0x99: {  	s19 =	simm.s32 $_scs_section_size  }
0x9a: {  	s4 =	simm.s32 $_size__tile_overlayer_lowered;
	s5 =	simm.s32 $_tile_overlayer_lowered  }
0x9b: {  	s22 =	simm.s32 $0x1BFF;
	s21 =	sshll.u32 s5, $0x1;
	s2 =	sadd.s32 s19, s18  }
0x9c: {  	s6 =	simm.s32 $0x0;
	s20 =	sshll.u32 s4, $0x1;
	s4 =	sadd.s32 s21, s2  }
0x9d: {  	[timem:s6], [sflag:s22] =	dma.local [hbm:s4], s20  }
0x9e: {  	_ =	swait.ge [sflag:s22], s20  }
0x9f: {  	s3 =	ssub.s32 $0x0, s20;
	[sflag:s22] =	ssyncset.done $0x0  }
0xa0: {  	[sflag:s22] =	ssyncadd.s32 s3;
	_ =	sdelay $0x1  }
0xa1: {  	s23 =	simm.s32 $0x1B8B  }
0xa2: {  	_ =	swait.ge [sflag:s23], $0x1  }
0xa3: {  	[sflag:s23] =	ssyncset.done $0x0  }
0xa4: {  	s25 =	simm.s32 $0x1B8E;
	s24 =	sld [smem:$0x3FFE];
	[sflag:s23] =	ssyncadd.s32 $0xFFFFFFFF  }
0xa5: {  	s26 =	simm.s32 $execute0_lowered;
	[smem:$0x3FD2] =	sst s25  }
0xa6: {  	s4 =	sshll.u32 s26, $0x1;
	_ =	strace $0x80000046;
	[dreg:$0x1] =	wrdreg $0xFFFFFFFF  }
0xa7: {  	s28 =	simm.s32 $_size_execute0_lowered;
	s2 =	sadd.s32 s2, s4;
	[dreg:$0x0] =	wrdreg $0x0  }
0xa8: {  	s4 =	sshll.u32 s28, $0x1;
	[dreg:$0x2] =	wrdreg s2  }
0xa9: {  	[dreg:$0x3] =	wrdreg s4  }
0xaa: {  	[dreg:$0x4] =	wrdreg $0xC0  }
0xab: {  	_ =	task [dreg:s6], $0x5FFFF  }
0xac: {  	[dreg:$0x1] =	wrdreg $0xFFFFFFFF  }
0xad: {  	[dreg:$0x0] =	wrdreg $0x60  }
0xae: {  	[dreg:$0x2] =	wrdreg s24  }
0xaf: {  	[dreg:$0x3] =	wrdreg $0x9  }
0xb0: {  	_ =	task.clear_ibuf [dreg:s6], $0x4FFFF;
	_ =	strace $0x90000046  }
0xb1: {  	s29 =	simm.s32 $0x9;
	_ =	strace $0x80000048  }
0xb2: {  	_ =	swait.ge [sflag:s29], $0x1  }
0xb3: {  	[sflag:s29] =	ssyncadd.s32 $0xFFFFFFFF  }
0xb4: {  	_ =	strace $0x90000048  }
0xb5: {  	_ =	sfence  }
0xb6: {  	s30 =	sld [smem:$0x0];
	_ =	sdelay $0x2  }
0xb7: {  	s31 =	sshll.u32 s1, $0xD;
	s1 =	sshrl.u32 s1, $0x2  }
0xb8: {  	s3 =	sand.u32 $0x4000, s31;
	s1 =	sadd.s32 s1, s30  }
0xb9: {  	s0 =	sor.u32 s3, s0;
	s1 =	sshll.u32 s1, $0x11  }
0xba: {  	s0 =	sor.u32 s1, s0  }
0xbb: {  	s0 =	sadd.s32 $0x8F2B, s0  }
0xbc: {  	[sflag:s0] =	ssyncadd.remote.s32 $0x1  }
0xbd: {  	_ =	sfence.sel $0xFFFF  }
0xbe: {  	[dreg:$0x0] =	wrdreg $0xFFFFFFFF;
	(pc) =	sbr.abs _section_cstart, $3  }
0xbf: {  	[dreg:$0x1] =	wrdreg $0xFFFFFFFF  }
0xc0: {  	_ =	task.clear_ibuf [dreg:s6], $0x2FFFF;
	_ =	strace $0x9FFFFFFF  }
0xc1: {  	(tm) =	ssettm $0x7FFFFFFF  }
tec
execute0_lowered:
.L_overlay_start_1:
0x0: {  	(tag) =	ssettag $0x1  }
0x1: {  	s4 =	rddreg [dreg:$0x0]  }
0x2: {  	s0 =	rddreg [dreg:$0x1];
	s2 =	simm.s32 $0x0;
	s3 =	srdreg.scid  }
0x3: {  	s1 =	stileid.u32;
	s9 =	simm.s32 $0xE400;
	s10 =	simm.s32 $0x1  }
0x4: {  	s11 =	simm.s32 $0x40;
	s12 =	simm.s32 $0x0;
	s5 =	sand.u32 $0x1, s3  }
0x5: {  	v0 =	vlaneseq.u32;
	[smem:$0x7FF] =	sst s2;
	s6 =	sshll.u32 s1, $0x8;
	s7 =	sshll.u32 s5, $0x7  }
0x6: {  	s3 =	sadd.s32 $0x1A7A00, s4;
	v0 =	vmul.u32 $0x100, v0;
	_ =	strace $0x80000047;
	s6 =	sor.u32 s7, s6  }
0x7: {  	s5 =	ssub.s32 $0x2, s5;
	s7 =	sshll.u32 s6, $0x5;
	s6 =	sshll.u32 s6, $0x4  }
0x8: {  	v1 =	vimm.f32 $0.0e+00;
	s8 =	sshrl.u32 s5, $0x1;
	v2 =	vor.u32 $0x1000, v0;
	s7 =	sadd.s32 s7, s4;
	s6 =	sadd.s32 s6, s4  }
0x9: {  	v3 =	vor.u32 $0x2000, v0;
	v4 =	vor.u32 $0x3000, v0;
	v5 =	vor.u32 $0x4000, v0;
	s8 =	ssub.s32 s5, s8;
	s4 =	sadd.s32 $0x187A00, s7;
	s5 =	sadd.s32 $0x1000, s6  }
0xa: {  	v6 =	vor.u32 $0x5000, v0;
	v7 =	vor.u32 $0x6000, v0;
	v8 =	vor.u32 $0x7000, v0;
	s6 =	smax.u32 s8, $0x1;
	s7 =	simm.s32 $0x2;
	s8 =	simm.s32 $0x80  }
.LBB2_1:
0xb: {  	[tilespmem:s2], [sflag:$0x2] =	stream.linear.gather [hbm4b:s4+s2], $0x8000, $0x38;
	[tilespmem:$0x10400] =	vst v63  }
0xc: {  	_ =	swait.ge [sflag:s7], $0x8000  }
0xd: {  	[sflag:s7] =	ssyncset.done $0x0  }
0xe: {  	s13 =	simm.s32 $0x0;
	[sflag:s7] =	ssyncadd.s32 $0xFFFF8000  }
.LBB2_2:
0xf: {  	p0 =	sne.s32 s13, $0x7F00  }
.Ltmp0:
0x10: {  	s14 =	sshra.s32 s13, $0x2;
	(pc) =	sbr.rel @p0 .LBB2_2-.Ltmp0, $4  }
0x11: {  	[tilespmem:s14+$0xE400] =	vst v1  }
0x12: {  	[tilespmem:s14+$0xE410] =	vst v1  }
0x13: {  	[tilespmem:s14+$0xE420] =	vst v1  }
0x14: {  	s13 =	sadd.s32 $0x100, s13;
	[tilespmem:s14+$0xE430] =	vst v1  }
0x15: {  	s13 =	simm.s32 $0x0  }
0x16: {  	v9 =	vmov s13  }
0x17: {  	v9 =	vand.u32 $0xFF, v9  }
0x18: {  	v9 =	vbroadcast v9, $0x0;
	_ =	sdelay $0x1  }
0x19: {  	v10 =	vor.u32 v0, v9;
	_ =	sdelay $0x4  }
0x1a: {  	v10 =	vld.idx.msk [tilespmem:v10+s2+$0x0], $0xffff;
	_ =	sdelay $0x1  }
0x1b: {  	v11 =	vor.u32 v2, v9;
	_ =	sdelay $0x2  }
0x1c: {  	s14 =	simm.s32 $0x8000;
	v10 =	vshll.u32 v10, $0x1  }
0x1d: {  	[tilespmem:s14+$0x0] =	vst v10  }
0x1e: {  	v10 =	vld.idx.msk [tilespmem:v11+s2+$0x0], $0xffff;
	_ =	sdelay $0x1  }
0x1f: {  	v11 =	vor.u32 v3, v9;
	_ =	sdelay $0x2  }
0x20: {  	v10 =	vshll.u32 v10, $0x1  }
0x21: {  	[tilespmem:s14+$0x10] =	vst v10  }
0x22: {  	v10 =	vld.idx.msk [tilespmem:v11+s2+$0x0], $0xffff;
	_ =	sdelay $0x1  }
0x23: {  	v11 =	vor.u32 v4, v9;
	_ =	sdelay $0x2  }
0x24: {  	v10 =	vshll.u32 v10, $0x1  }
0x25: {  	[tilespmem:s14+$0x20] =	vst v10  }
0x26: {  	v10 =	vld.idx.msk [tilespmem:v11+s2+$0x0], $0xffff;
	_ =	sdelay $0x1  }
0x27: {  	v11 =	vor.u32 v5, v9;
	_ =	sdelay $0x2  }
0x28: {  	v10 =	vshll.u32 v10, $0x1  }
0x29: {  	[tilespmem:s14+$0x30] =	vst v10  }
0x2a: {  	v10 =	vld.idx.msk [tilespmem:v11+s2+$0x0], $0xffff;
	_ =	sdelay $0x1  }
0x2b: {  	v11 =	vor.u32 v6, v9;
	_ =	sdelay $0x2  }
0x2c: {  	v10 =	vshll.u32 v10, $0x1  }
0x2d: {  	[tilespmem:s14+$0x40] =	vst v10  }
0x2e: {  	v10 =	vld.idx.msk [tilespmem:v11+s2+$0x0], $0xffff;
	_ =	sdelay $0x1  }
0x2f: {  	v11 =	vor.u32 v7, v9;
	_ =	sdelay $0x2  }
0x30: {  	v10 =	vshll.u32 v10, $0x1  }
0x31: {  	[tilespmem:s14+$0x50] =	vst v10  }
0x32: {  	v10 =	vld.idx.msk [tilespmem:v11+s2+$0x0], $0xffff;
	_ =	sdelay $0x1  }
0x33: {  	v9 =	vor.u32 v8, v9;
	_ =	sdelay $0x2  }
0x34: {  	v10 =	vshll.u32 v10, $0x1  }
0x35: {  	[tilespmem:s14+$0x60] =	vst v10  }
0x36: {  	s31 =	simm.s32 $0x1;
	v10 =	vld.idx.msk [tilespmem:v9+s2+$0x0], $0xffff  }
0x37: {  	v9 =	vmov s31  }
0x38: {  	v9 =	vand.u32 $0xFF, v9  }
0x39: {  	v9 =	vbroadcast v9, $0x0;
	_ =	sdelay $0x1  }
0x3a: {  	v11 =	vshll.u32 v10, $0x1;
	v10 =	vor.u32 v0, v9;
	_ =	sdelay $0x2  }
0x3b: {  	s15 =	simm.s32 $0x2;
	s13 =	simm.s32 $0x8080;
	[tilespmem:s14+$0x70] =	vst v11  }
.LBB2_4:
0x3c: {  	[tilespmem:s9], [sflag:$0x1] =	stream.indirect.gather.add.f32 [hbm:s3], $0x40, s14, s8, $0xb8;
	[tilespmem:$0x10400] =	vst v63  }
0x3d: {  	p0 =	sne.s32 s15, $0xC7;
	s16 =	smov.u32 s15;
	s15 =	sadd.s32 $0x1, s15;
	v10 =	vld.idx.msk [tilespmem:v10+s2+$0x0], $0xffff  }
0x3e: {  	s14 =	smov.u32 s13;
	_ =	sdelay $0x1  }
0x3f: {  	v11 =	vor.u32 v2, v9;
	_ =	sdelay $0x2  }
0x40: {  	v10 =	vshll.u32 v10, $0x1  }
0x41: {  	[tilespmem:s13+$0x0] =	vst v10  }
0x42: {  	v10 =	vld.idx.msk [tilespmem:v11+s2+$0x0], $0xffff;
	_ =	sdelay $0x2  }
0x43: {  	v11 =	vor.u32 v3, v9;
	_ =	sdelay $0x2  }
0x44: {  	v10 =	vshll.u32 v10, $0x1  }
0x45: {  	[tilespmem:s13+$0x10] =	vst v10  }
0x46: {  	v10 =	vld.idx.msk [tilespmem:v11+s2+$0x0], $0xffff;
	_ =	sdelay $0x2  }
0x47: {  	v11 =	vor.u32 v4, v9;
	_ =	sdelay $0x2  }
0x48: {  	v10 =	vshll.u32 v10, $0x1  }
0x49: {  	[tilespmem:s13+$0x20] =	vst v10  }
0x4a: {  	v10 =	vld.idx.msk [tilespmem:v11+s2+$0x0], $0xffff;
	_ =	sdelay $0x2  }
0x4b: {  	v11 =	vor.u32 v5, v9;
	_ =	sdelay $0x2  }
0x4c: {  	v10 =	vshll.u32 v10, $0x1  }
0x4d: {  	[tilespmem:s13+$0x30] =	vst v10  }
0x4e: {  	v10 =	vld.idx.msk [tilespmem:v11+s2+$0x0], $0xffff;
	_ =	sdelay $0x2  }
0x4f: {  	v11 =	vor.u32 v6, v9;
	_ =	sdelay $0x2  }
0x50: {  	v10 =	vshll.u32 v10, $0x1  }
0x51: {  	[tilespmem:s13+$0x40] =	vst v10  }
0x52: {  	v10 =	vld.idx.msk [tilespmem:v11+s2+$0x0], $0xffff;
	_ =	sdelay $0x2  }
0x53: {  	v11 =	vor.u32 v7, v9;
	_ =	sdelay $0x2  }
0x54: {  	v10 =	vshll.u32 v10, $0x1  }
0x55: {  	[tilespmem:s13+$0x50] =	vst v10  }
0x56: {  	v10 =	vld.idx.msk [tilespmem:v11+s2+$0x0], $0xffff;
	_ =	sdelay $0x2  }
0x57: {  	v9 =	vor.u32 v8, v9;
	_ =	sdelay $0x2  }
0x58: {  	v10 =	vshll.u32 v10, $0x1  }
0x59: {  	[tilespmem:s13+$0x60] =	vst v10  }
0x5a: {  	v10 =	vmov s16;
	v11 =	vld.idx.msk [tilespmem:v9+s2+$0x0], $0xffff  }
0x5b: {  	v9 =	vand.u32 $0xFF, v10  }
0x5c: {  	v9 =	vbroadcast v9, $0x0  }
.Ltmp1:
0x5d: {  	(pc) =	sbr.rel @p0 .LBB2_4-.Ltmp1, $3  }
0x5e: {  	v10 =	vor.u32 v0, v9;
	_ =	sdelay $0x1  }
0x5f: {  	v11 =	vshll.u32 v11, $0x1  }
0x60: {  	s13 =	sadd.s32 $0x80, s13;
	[tilespmem:s14+$0x70] =	vst v11  }
0x61: {  	_ =	sdelay $0x2  }
0x62: {  	[tilespmem:s9], [sflag:$0x1] =	stream.indirect.gather.add.f32 [hbm:s3], $0x40, s14, s8, $0xb8;
	[tilespmem:$0x10400] =	vst v63  }
0x63: {  	v10 =	vld.idx.msk [tilespmem:v10+s2+$0x0], $0xffff;
	_ =	sdelay $0x1  }
0x64: {  	v11 =	vor.u32 v2, v9;
	_ =	sdelay $0x2  }
0x65: {  	v10 =	vshll.u32 v10, $0x1  }
0x66: {  	[tilespmem:s13+$0x0] =	vst v10  }
0x67: {  	v10 =	vld.idx.msk [tilespmem:v11+s2+$0x0], $0xffff;
	_ =	sdelay $0x1  }
0x68: {  	v11 =	vor.u32 v3, v9;
	_ =	sdelay $0x2  }
0x69: {  	v10 =	vshll.u32 v10, $0x1  }
0x6a: {  	[tilespmem:s13+$0x10] =	vst v10  }
0x6b: {  	v10 =	vld.idx.msk [tilespmem:v11+s2+$0x0], $0xffff;
	_ =	sdelay $0x1  }
0x6c: {  	v11 =	vor.u32 v4, v9;
	_ =	sdelay $0x2  }
0x6d: {  	v10 =	vshll.u32 v10, $0x1  }
0x6e: {  	[tilespmem:s13+$0x20] =	vst v10  }
0x6f: {  	v10 =	vld.idx.msk [tilespmem:v11+s2+$0x0], $0xffff;
	_ =	sdelay $0x1  }
0x70: {  	v11 =	vor.u32 v5, v9;
	_ =	sdelay $0x2  }
0x71: {  	v10 =	vshll.u32 v10, $0x1  }
0x72: {  	[tilespmem:s13+$0x30] =	vst v10  }
0x73: {  	v10 =	vld.idx.msk [tilespmem:v11+s2+$0x0], $0xffff;
	_ =	sdelay $0x1  }
0x74: {  	v11 =	vor.u32 v6, v9;
	_ =	sdelay $0x2  }
0x75: {  	v10 =	vshll.u32 v10, $0x1  }
0x76: {  	[tilespmem:s13+$0x40] =	vst v10  }
0x77: {  	v10 =	vld.idx.msk [tilespmem:v11+s2+$0x0], $0xffff;
	_ =	sdelay $0x1  }
0x78: {  	v11 =	vor.u32 v7, v9;
	_ =	sdelay $0x2  }
0x79: {  	v10 =	vshll.u32 v10, $0x1  }
0x7a: {  	[tilespmem:s13+$0x50] =	vst v10  }
0x7b: {  	v10 =	vld.idx.msk [tilespmem:v11+s2+$0x0], $0xffff;
	_ =	sdelay $0x1  }
0x7c: {  	v9 =	vor.u32 v8, v9;
	_ =	sdelay $0x2  }
0x7d: {  	v10 =	vshll.u32 v10, $0x1  }
0x7e: {  	[tilespmem:s13+$0x60] =	vst v10  }
0x7f: {  	v9 =	vld.idx.msk [tilespmem:v9+s2+$0x0], $0xffff;
	_ =	sdelay $0x4  }
0x80: {  	v9 =	vshll.u32 v9, $0x1  }
0x81: {  	[tilespmem:s13+$0x70] =	vst v9  }
0x82: {  	[tilespmem:s9], [sflag:$0x1] =	stream.indirect.gather.add.f32 [hbm:s3], $0x40, s13, s8, $0xb8;
	[tilespmem:$0x10400] =	vst v63  }
0x83: {  	_ =	swait.ge [sflag:s10], $0x2000  }
0x84: {  	s13 =	simm.s32 $0xC7;
	[sflag:s10] =	ssyncset.done $0x0  }
.LBB2_6:
0x85: {  	p0 =	sne.s32 s13, $0x1;
	s13 =	sadd.s32 $0xFFFFFFFF, s13;
	[sflag:s10] =	ssyncadd.s32 $0xFFFFE000  }
.Ltmp2:
0x86: {  	(pc) =	sbr.rel @p0 .LBB2_6-.Ltmp2, $3  }
0x87: {  	_ =	sdelay $0x1  }
0x88: {  	_ =	swait.ge [sflag:s10], $0x2000  }
0x89: {  	[sflag:s10] =	ssyncset.done $0x0  }
0x8a: {  	s12 =	sadd.s32 $0x1, s12  }
0x8b: {  	p0 =	sne.s32 s12, s6  }
.Ltmp3:
0x8c: {  	[sflag:s10] =	ssyncadd.s32 $0xFFFFE000;
	(pc) =	sbr.rel @p0 .LBB2_1-.Ltmp3, $4  }
0x8d: {  	[hbm4b:s5+s11] =	stream.strided.scatter [tilespmem:s9], [sflag:$0x2], $0x2000, s8, s11, $0x38;
	[tilespmem:$0x10400] =	vst v63  }
0x8e: {  	_ =	swait.ge [sflag:s7], $0x2000  }
0x8f: {  	[sflag:s7] =	ssyncset.done $0x0  }
0x90: {  	[sflag:s7] =	ssyncadd.s32 $0xFFFFE000  }
0x91: {  	_ =	sfence.sel $0x180000  }
0x92: {  	[bflag:$0x0] =	sbarrier.arrive $0xFFFF  }
0x93: {  	p0 =	sne.s32 s1, $0x0;
	_ =	strace $0x90000047  }
0x94: {  	s0 =	sadd.s32 @!p0 $0x100000, s0;
	[bflag:$0x2] =	sbarrier.arrive $0xFFFF  }
0x95: {  	[sflag:s0] =	ssyncadd.tile.s32 @!p0 $0x1;
	_ =	shalt  }
.Lfunc_end2:
_tile_overlayer_lowered:
.L_overlay_start_2:
0x96: {  	(tag) =	ssettag $0x2  }
0x97: {  	s0 =	rddreg [dreg:$0x0];
	s2 =	stileid.u32  }
0x98: {  	s1 =	rddreg [dreg:$0x1];
	p0 =	sne.s32 s2, $0x0  }
0x99: {  	s3 =	rddreg [dreg:$0x2];
	[bflag:$0x3] =	sbarrier.arrive $0xFFFF;
	s2 =	simm.s32 @!p0 $0x1C02  }
0x9a: {  	[timem:s3], [sflag:s2] =	dma.local @!p0 [hbm:s0], s1  }
0x9b: {  	s0 =	simm.s32 @!p0 $0x2  }
0x9c: {  	_ =	swait.ge @!p0 [sflag:s0], s1  }
0x9d: {  	s1 =	ssub.s32 @!p0 $0x0, s1;
	[sflag:s0] =	ssyncset.done @!p0 $0x0  }
0x9e: {  	[sflag:s0] =	ssyncadd.s32 @!p0 s1  }
0x9f: {  	[bflag:$0x3] =	sbarrier.arrive $0xFFFF  }
0xa0: {  	_ =	shalt  }

</sc_bundles>
